<compile_context>
chip_gen: v7x
topology: tpu7x:2x2x1
jax: 0.10.2.dev20260603
libtpu: 0.0.44.dev20260713+nightly
codegen_flags: <defaults>
</compile_context>

<pallas_src>
import functools

import jax
import jax.numpy as jnp
from jax import lax
from jax.experimental import pallas as pl
from jax.experimental.pallas import tpu as pltpu
from jax.experimental.pallas import tpu_sc as plsc

N = 16777216
NC = 2
NS = 16
L = 16
NW = NC * NS
PER_W = N // NW
CHUNK = 16384
NCHUNK = PER_W // CHUNK
NPAIR = NCHUNK // 2

_mesh = plsc.VectorSubcoreMesh(core_axis_name="c", subcore_axis_name="s")


@functools.partial(
    pl.kernel,
    mesh=_mesh,
    out_type=jax.ShapeDtypeStruct((N,), jnp.float32),
    scratch_types=[
        pltpu.VMEM((CHUNK,), jnp.float32),
        pltpu.VMEM((CHUNK,), jnp.float32),
        pltpu.VMEM((CHUNK,), jnp.float32),
        pltpu.VMEM((CHUNK,), jnp.float32),
        pltpu.VMEM((CHUNK,), jnp.float32),
        pltpu.VMEM((CHUNK,), jnp.float32),
        pltpu.SemaphoreType.DMA,
        pltpu.SemaphoreType.DMA,
        pltpu.SemaphoreType.DMA,
        pltpu.SemaphoreType.DMA,
    ],
)
def _stable_zero_div_sc(x_hbm, y_hbm, out_hbm, xv0, yv0, ov0, xv1, yv1, ov1,
                        gs0, gs1, ss0, ss1):
    wid = lax.axis_index("s") * NC + lax.axis_index("c")
    base = wid * PER_W
    bufs = ((xv0, yv0, ov0, gs0, ss0), (xv1, yv1, ov1, gs1, ss1))

    def start_gathers(ci, b):
        xv, yv, _, gs, _ = bufs[b]
        off = base + ci * CHUNK
        pltpu.async_copy(x_hbm.at[pl.ds(off, CHUNK)], xv, gs)
        pltpu.async_copy(y_hbm.at[pl.ds(off, CHUNK)], yv, gs)

    def wait_gathers(b):
        xv, yv, _, gs, _ = bufs[b]
        pltpu.make_async_copy(x_hbm.at[pl.ds(0, CHUNK)], xv, gs).wait()
        pltpu.make_async_copy(y_hbm.at[pl.ds(0, CHUNK)], yv, gs).wait()

    def wait_scatter(b):
        _, _, ov, _, ss = bufs[b]
        pltpu.make_async_copy(ov, out_hbm.at[pl.ds(0, CHUNK)], ss).wait()

    def compute(b):
        xv, yv, ov, _, _ = bufs[b]

        @plsc.parallel_loop(0, CHUNK, step=L, unroll=8)
        def vec_body(i):
            s = pl.ds(i, L)
            yy = yv[s]
            xx = xv[s]
            ov[s] = jnp.where(yy == 0.0, 0.0, xx / yy)

    def start_scatter(ci, b):
        _, _, ov, _, ss = bufs[b]
        off = base + ci * CHUNK
        pltpu.async_copy(ov, out_hbm.at[pl.ds(off, CHUNK)], ss)

    start_gathers(0, 0)

    def pair_body(pi, carry):
        ci0 = pi * 2
        start_gathers(ci0 + 1, 1)
        wait_gathers(0)

        @pl.when(pi >= 1)
        def _():
            wait_scatter(0)

        compute(0)
        start_scatter(ci0, 0)

        @pl.when(pi < NPAIR - 1)
        def _():
            start_gathers(ci0 + 2, 0)

        wait_gathers(1)

        @pl.when(pi >= 1)
        def _():
            wait_scatter(1)

        compute(1)
        start_scatter(ci0 + 1, 1)
        return carry

    lax.fori_loop(0, NPAIR, pair_body, 0)
    wait_scatter(0)
    wait_scatter(1)


def kernel(x, y):
    return _stable_zero_div_sc(x, y)

# --- scband reference (transcript-rebuilt; emitter-appended) ---
"""Pipeline reference for scband-stable-zero-div-16561393894029 (READ-ONLY COPY).

The authoritative reference and input builder live on the scoring server;
editing this copy changes nothing except your own understanding.
"""

import jax, jax.numpy as jnp
import numpy as np


def setup_inputs(seed: int = 0) -> dict:
    key = jax.random.key(seed)
    k1, k2 = jax.random.split(key)
    N = 16777216
    x = jax.random.normal(k1, (N,), dtype=jnp.float32)
    y = jax.random.normal(k2, (N,), dtype=jnp.float32)
    return {"x": x, "y": y}


def reference(x, y):
    # Faithful translation of StableZeroDiv.forward:
    #   out = zeros_like(y)
    #   out[nonzero(y)] = 1.0 / y[nonzero(y)]
    #   out *= x
    # i.e. out = x * (1/y where y != 0 else 0)
    nz = y != 0
    safe_y = jnp.where(nz, y, jnp.ones_like(y))
    inv = jnp.where(nz, 1.0 / safe_y, jnp.zeros_like(y))
    out = inv * x
    return out

if __name__ == "__main__":
    import jax
    _d = setup_inputs()
    print(jax.jit(kernel)(*tuple(_d.values())))

</pallas_src>

<mosaic_0001>
#map = affine_map<(d0, d1) -> (0)>
module attributes {stable_mosaic.version = 14 : i64} {
  func.func @_stable_zero_div_sc(%arg0: i32, %arg1: i32, %arg2: memref<16777216xf32, #tpu.memory_space<hbm>>, %arg3: memref<16777216xf32, #tpu.memory_space<hbm>>, %arg4: memref<16777216xf32, #tpu.memory_space<hbm>>, %arg5: memref<16384xf32, #tpu.memory_space<vmem>>, %arg6: memref<16384xf32, #tpu.memory_space<vmem>>, %arg7: memref<16384xf32, #tpu.memory_space<vmem>>, %arg8: memref<16384xf32, #tpu.memory_space<vmem>>, %arg9: memref<16384xf32, #tpu.memory_space<vmem>>, %arg10: memref<16384xf32, #tpu.memory_space<vmem>>, %arg11: memref<!tpu.dma_semaphore, #tpu.memory_space<semaphore_mem>>, %arg12: memref<!tpu.dma_semaphore, #tpu.memory_space<semaphore_mem>>, %arg13: memref<!tpu.dma_semaphore, #tpu.memory_space<semaphore_mem>>, %arg14: memref<!tpu.dma_semaphore, #tpu.memory_space<semaphore_mem>>) attributes {dimension_semantics = [#tpu.dimension_semantics<core_parallel>, #tpu.dimension_semantics<subcore_parallel>], iteration_bounds = array<i64: 2, 16>, scalar_prefetch = 0 : i64, scratch_operands = 10 : i64, tpu.core_type = #tpu.core_type<sc_vector_subcore>, window_params = [{transform_indices = #map}, {transform_indices = #map}, {transform_indices = #map}]} {
    %mul3A = arith.constant 2 : i32
    %mul3A_0 = arith.muli %arg1, %mul3A : i32
    %add3A = arith.addi %mul3A_0, %arg0 : i32
    %mul3A_1 = arith.constant 524288 : i32
    %mul3A_2 = arith.muli %add3A, %mul3A_1 : i32
    %add3A_3 = arith.constant 0 : i32
    %add3A_4 = arith.addi %mul3A_2, %add3A_3 : i32
    %dma_start3A = tpu.memref_slice %arg2[%add3A_4] : memref<16777216xf32, #tpu.memory_space<hbm>> -> memref<16384xf32, #tpu.memory_space<hbm>>
    %dma_start3A_5 = tpu.memref_slice %arg2[%add3A_4] : memref<16777216xf32, #tpu.memory_space<hbm>> -> memref<16384xf32, #tpu.memory_space<hbm>>
    tpu.enqueue_dma source(%dma_start3A_5 : memref<16384xf32, #tpu.memory_space<hbm>>) target(%arg5 : memref<16384xf32, #tpu.memory_space<vmem>>) target_semaphore(%arg11 : memref<!tpu.dma_semaphore, #tpu.memory_space<semaphore_mem>>)
    %dma_start3A_6 = tpu.memref_slice %arg3[%add3A_4] : memref<16777216xf32, #tpu.memory_space<hbm>> -> memref<16384xf32, #tpu.memory_space<hbm>>
    %dma_start3A_7 = tpu.memref_slice %arg3[%add3A_4] : memref<16777216xf32, #tpu.memory_space<hbm>> -> memref<16384xf32, #tpu.memory_space<hbm>>
    tpu.enqueue_dma source(%dma_start3A_7 : memref<16384xf32, #tpu.memory_space<hbm>>) target(%arg6 : memref<16384xf32, #tpu.memory_space<vmem>>) target_semaphore(%arg11 : memref<!tpu.dma_semaphore, #tpu.memory_space<semaphore_mem>>)
    %scan3A = arith.constant 0 : i32
    %scan3A_8 = arith.constant 0 : i32
    %scan3A_9 = arith.constant 16 : i32
    %scan3A_10 = arith.addi %scan3A_8, %scan3A_9 : i32
    %scan3A_11 = arith.constant 1 : i32
    scf.for %scan3A_20 = %scan3A_8 to %scan3A_10 step %scan3A_11  : i32 {
      %mul3A_21 = arith.constant 2 : i32
      %mul3A_22 = arith.muli %scan3A_20, %mul3A_21 : i32
      %add3A_23 = arith.constant 1 : i32
      %add3A_24 = arith.addi %mul3A_22, %add3A_23 : i32
      %mul3A_25 = arith.constant 16384 : i32
      %mul3A_26 = arith.muli %add3A_24, %mul3A_25 : i32
      %add3A_27 = arith.addi %mul3A_2, %mul3A_26 : i32
      %dma_start3A_28 = tpu.memref_slice %arg2[%add3A_27] : memref<16777216xf32, #tpu.memory_space<hbm>> -> memref<16384xf32, #tpu.memory_space<hbm>>
      %dma_start3A_29 = tpu.memref_slice %arg2[%add3A_27] : memref<16777216xf32, #tpu.memory_space<hbm>> -> memref<16384xf32, #tpu.memory_space<hbm>>
      tpu.enqueue_dma source(%dma_start3A_29 : memref<16384xf32, #tpu.memory_space<hbm>>) target(%arg8 : memref<16384xf32, #tpu.memory_space<vmem>>) target_semaphore(%arg12 : memref<!tpu.dma_semaphore, #tpu.memory_space<semaphore_mem>>)
      %dma_start3A_30 = tpu.memref_slice %arg3[%add3A_27] : memref<16777216xf32, #tpu.memory_space<hbm>> -> memref<16384xf32, #tpu.memory_space<hbm>>
      %dma_start3A_31 = tpu.memref_slice %arg3[%add3A_27] : memref<16777216xf32, #tpu.memory_space<hbm>> -> memref<16384xf32, #tpu.memory_space<hbm>>
      tpu.enqueue_dma source(%dma_start3A_31 : memref<16384xf32, #tpu.memory_space<hbm>>) target(%arg9 : memref<16384xf32, #tpu.memory_space<vmem>>) target_semaphore(%arg12 : memref<!tpu.dma_semaphore, #tpu.memory_space<semaphore_mem>>)
      %dma_wait3A_32 = arith.constant 0 : i32
      %dma_wait3A_33 = tpu.memref_slice %arg2[%dma_wait3A_32] : memref<16777216xf32, #tpu.memory_space<hbm>> -> memref<16384xf32, #tpu.memory_space<hbm>>
      %dma_wait3A_34 = arith.constant 0 : i32
      %dma_wait3A_35 = tpu.memref_slice %arg2[%dma_wait3A_34] : memref<16777216xf32, #tpu.memory_space<hbm>> -> memref<16384xf32, #tpu.memory_space<hbm>>
      tpu.wait_dma2 semaphore(%arg11 : memref<!tpu.dma_semaphore, #tpu.memory_space<semaphore_mem>>) src(%dma_wait3A_35 : memref<16384xf32, #tpu.memory_space<hbm>>) dst(%arg5 : memref<16384xf32, #tpu.memory_space<vmem>>)
      %dma_wait3A_36 = arith.constant 0 : i32
      %dma_wait3A_37 = tpu.memref_slice %arg3[%dma_wait3A_36] : memref<16777216xf32, #tpu.memory_space<hbm>> -> memref<16384xf32, #tpu.memory_space<hbm>>
      %dma_wait3A_38 = arith.constant 0 : i32
      %dma_wait3A_39 = tpu.memref_slice %arg3[%dma_wait3A_38] : memref<16777216xf32, #tpu.memory_space<hbm>> -> memref<16384xf32, #tpu.memory_space<hbm>>
      tpu.wait_dma2 semaphore(%arg11 : memref<!tpu.dma_semaphore, #tpu.memory_space<semaphore_mem>>) src(%dma_wait3A_39 : memref<16384xf32, #tpu.memory_space<hbm>>) dst(%arg6 : memref<16384xf32, #tpu.memory_space<vmem>>)
      %ge3A = arith.constant 1 : i32
      %ge3A_40 = arith.cmpi sge, %scan3A_20, %ge3A : i32
      %convert_element_type3A = arith.extui %ge3A_40 : i1 to i32
      %cond3A = arith.constant 0 : i32
      %cond3A_41 = arith.cmpi ne, %convert_element_type3A, %cond3A : i32
      scf.if %cond3A_41 {
        %dma_wait3A_76 = arith.constant 0 : i32
        %dma_wait3A_77 = tpu.memref_slice %arg4[%dma_wait3A_76] : memref<16777216xf32, #tpu.memory_space<hbm>> -> memref<16384xf32, #tpu.memory_space<hbm>>
        %dma_wait3A_78 = arith.constant 0 : i32
        %dma_wait3A_79 = tpu.memref_slice %arg4[%dma_wait3A_78] : memref<16777216xf32, #tpu.memory_space<hbm>> -> memref<16384xf32, #tpu.memory_space<hbm>>
        tpu.wait_dma2 semaphore(%arg13 : memref<!tpu.dma_semaphore, #tpu.memory_space<semaphore_mem>>) src(%arg7 : memref<16384xf32, #tpu.memory_space<vmem>>) dst(%dma_wait3A_79 : memref<16384xf32, #tpu.memory_space<hbm>>)
      } else {
      }
      %parallel_loop3A = arith.constant 0 : i32
      %parallel_loop3A_42 = arith.constant 16384 : i32
      %parallel_loop3A_43 = arith.constant 16 : i32
      scf.for %parallel_loop3A_76 = %parallel_loop3A to %parallel_loop3A_42 step %parallel_loop3A_43  : i32 {
        %parallel_loop3A_77 = arith.index_cast %parallel_loop3A_76 : i32 to index
        %parallel_loop3A_78 = tpu.vector_load %arg6[%parallel_loop3A_77] {strides = array<i32>} : memref<16384xf32, #tpu.memory_space<vmem>>, vector<16xf32>,
        %parallel_loop3A_79 = vector.shape_cast %parallel_loop3A_78 : vector<16xf32> to vector<16xf32>
        %parallel_loop3A_80 = arith.index_cast %parallel_loop3A_76 : i32 to index
        %parallel_loop3A_81 = tpu.vector_load %arg5[%parallel_loop3A_80] {strides = array<i32>} : memref<16384xf32, #tpu.memory_space<vmem>>, vector<16xf32>,
        %parallel_loop3A_82 = vector.shape_cast %parallel_loop3A_81 : vector<16xf32> to vector<16xf32>
        %parallel_loop3A_83 = arith.constant 0.000000e+00 : f32
        %parallel_loop3A_84 = vector.broadcast %parallel_loop3A_83 : f32 to vector<16xf32>
        %parallel_loop3A_85 = arith.cmpf oeq, %parallel_loop3A_79, %parallel_loop3A_84 : vector<16xf32>
        %parallel_loop3A_86 = arith.divf %parallel_loop3A_82, %parallel_loop3A_79 : vector<16xf32>
        %parallel_loop3A_87 = arith.constant 0.000000e+00 : f32
        %parallel_loop3A_88 = vector.broadcast %parallel_loop3A_87 : f32 to vector<16xf32>
        %parallel_loop3A_89 = arith.select %parallel_loop3A_85, %parallel_loop3A_88, %parallel_loop3A_86 : vector<16xi1>, vector<16xf32>
        %parallel_loop3A_90 = arith.index_cast %parallel_loop3A_76 : i32 to index
        %parallel_loop3A_91 = tpu.vector_load %arg7[%parallel_loop3A_90] {strides = array<i32>} : memref<16384xf32, #tpu.memory_space<vmem>>, vector<16xf32>,
        %parallel_loop3A_92 = vector.shape_cast %parallel_loop3A_91 : vector<16xf32> to vector<16xf32>
        %parallel_loop3A_93 = vector.shape_cast %parallel_loop3A_89 : vector<16xf32> to vector<16xf32>
        tpu.vector_store %arg7[%parallel_loop3A_90], %parallel_loop3A_93 {strides = array<i32>} : memref<16384xf32, #tpu.memory_space<vmem>>, vector<16xf32>,
      } {sc.loop_unroll_factor = 8 : i64, sc.parallel_access}
      %mul3A_44 = arith.constant 16384 : i32
      %mul3A_45 = arith.muli %mul3A_22, %mul3A_44 : i32
      %add3A_46 = arith.addi %mul3A_2, %mul3A_45 : i32
      %dma_start3A_47 = tpu.memref_slice %arg4[%add3A_46] : memref<16777216xf32, #tpu.memory_space<hbm>> -> memref<16384xf32, #tpu.memory_space<hbm>>
      %dma_start3A_48 = tpu.memref_slice %arg4[%add3A_46] : memref<16777216xf32, #tpu.memory_space<hbm>> -> memref<16384xf32, #tpu.memory_space<hbm>>
      tpu.enqueue_dma source(%arg7 : memref<16384xf32, #tpu.memory_space<vmem>>) target(%dma_start3A_48 : memref<16384xf32, #tpu.memory_space<hbm>>) target_semaphore(%arg13 : memref<!tpu.dma_semaphore, #tpu.memory_space<semaphore_mem>>)
      %lt3A = arith.constant 15 : i32
      %lt3A_49 = arith.cmpi slt, %scan3A_20, %lt3A : i32
      %convert_element_type3A_50 = arith.extui %lt3A_49 : i1 to i32
      %cond3A_51 = arith.constant 0 : i32
      %cond3A_52 = arith.cmpi ne, %convert_element_type3A_50, %cond3A_51 : i32
      scf.if %cond3A_52 {
        %add3A_76 = arith.constant 2 : i32
        %add3A_77 = arith.addi %mul3A_22, %add3A_76 : i32
        %mul3A_78 = arith.constant 16384 : i32
        %mul3A_79 = arith.muli %add3A_77, %mul3A_78 : i32
        %add3A_80 = arith.addi %mul3A_2, %mul3A_79 : i32
        %dma_start3A_81 = tpu.memref_slice %arg2[%add3A_80] : memref<16777216xf32, #tpu.memory_space<hbm>> -> memref<16384xf32, #tpu.memory_space<hbm>>
        %dma_start3A_82 = tpu.memref_slice %arg2[%add3A_80] : memref<16777216xf32, #tpu.memory_space<hbm>> -> memref<16384xf32, #tpu.memory_space<hbm>>
        tpu.enqueue_dma source(%dma_start3A_82 : memref<16384xf32, #tpu.memory_space<hbm>>) target(%arg5 : memref<16384xf32, #tpu.memory_space<vmem>>) target_semaphore(%arg11 : memref<!tpu.dma_semaphore, #tpu.memory_space<semaphore_mem>>)
        %dma_start3A_83 = tpu.memref_slice %arg3[%add3A_80] : memref<16777216xf32, #tpu.memory_space<hbm>> -> memref<16384xf32, #tpu.memory_space<hbm>>
        %dma_start3A_84 = tpu.memref_slice %arg3[%add3A_80] : memref<16777216xf32, #tpu.memory_space<hbm>> -> memref<16384xf32, #tpu.memory_space<hbm>>
        tpu.enqueue_dma source(%dma_start3A_84 : memref<16384xf32, #tpu.memory_space<hbm>>) target(%arg6 : memref<16384xf32, #tpu.memory_space<vmem>>) target_semaphore(%arg11 : memref<!tpu.dma_semaphore, #tpu.memory_space<semaphore_mem>>)
      } else {
      }
      %dma_wait3A_53 = arith.constant 0 : i32
      %dma_wait3A_54 = tpu.memref_slice %arg2[%dma_wait3A_53] : memref<16777216xf32, #tpu.memory_space<hbm>> -> memref<16384xf32, #tpu.memory_space<hbm>>
      %dma_wait3A_55 = arith.constant 0 : i32
      %dma_wait3A_56 = tpu.memref_slice %arg2[%dma_wait3A_55] : memref<16777216xf32, #tpu.memory_space<hbm>> -> memref<16384xf32, #tpu.memory_space<hbm>>
      tpu.wait_dma2 semaphore(%arg12 : memref<!tpu.dma_semaphore, #tpu.memory_space<semaphore_mem>>) src(%dma_wait3A_56 : memref<16384xf32, #tpu.memory_space<hbm>>) dst(%arg8 : memref<16384xf32, #tpu.memory_space<vmem>>)
      %dma_wait3A_57 = arith.constant 0 : i32
      %dma_wait3A_58 = tpu.memref_slice %arg3[%dma_wait3A_57] : memref<16777216xf32, #tpu.memory_space<hbm>> -> memref<16384xf32, #tpu.memory_space<hbm>>
      %dma_wait3A_59 = arith.constant 0 : i32
      %dma_wait3A_60 = tpu.memref_slice %arg3[%dma_wait3A_59] : memref<16777216xf32, #tpu.memory_space<hbm>> -> memref<16384xf32, #tpu.memory_space<hbm>>
      tpu.wait_dma2 semaphore(%arg12 : memref<!tpu.dma_semaphore, #tpu.memory_space<semaphore_mem>>) src(%dma_wait3A_60 : memref<16384xf32, #tpu.memory_space<hbm>>) dst(%arg9 : memref<16384xf32, #tpu.memory_space<vmem>>)
      %ge3A_61 = arith.constant 1 : i32
      %ge3A_62 = arith.cmpi sge, %scan3A_20, %ge3A_61 : i32
      %convert_element_type3A_63 = arith.extui %ge3A_62 : i1 to i32
      %cond3A_64 = arith.constant 0 : i32
      %cond3A_65 = arith.cmpi ne, %convert_element_type3A_63, %cond3A_64 : i32
      scf.if %cond3A_65 {
        %dma_wait3A_76 = arith.constant 0 : i32
        %dma_wait3A_77 = tpu.memref_slice %arg4[%dma_wait3A_76] : memref<16777216xf32, #tpu.memory_space<hbm>> -> memref<16384xf32, #tpu.memory_space<hbm>>
        %dma_wait3A_78 = arith.constant 0 : i32
        %dma_wait3A_79 = tpu.memref_slice %arg4[%dma_wait3A_78] : memref<16777216xf32, #tpu.memory_space<hbm>> -> memref<16384xf32, #tpu.memory_space<hbm>>
        tpu.wait_dma2 semaphore(%arg14 : memref<!tpu.dma_semaphore, #tpu.memory_space<semaphore_mem>>) src(%arg10 : memref<16384xf32, #tpu.memory_space<vmem>>) dst(%dma_wait3A_79 : memref<16384xf32, #tpu.memory_space<hbm>>)
      } else {
      }
      %parallel_loop3A_66 = arith.constant 0 : i32
      %parallel_loop3A_67 = arith.constant 16384 : i32
      %parallel_loop3A_68 = arith.constant 16 : i32
      scf.for %parallel_loop3A_76 = %parallel_loop3A_66 to %parallel_loop3A_67 step %parallel_loop3A_68  : i32 {
        %parallel_loop3A_77 = arith.index_cast %parallel_loop3A_76 : i32 to index
        %parallel_loop3A_78 = tpu.vector_load %arg9[%parallel_loop3A_77] {strides = array<i32>} : memref<16384xf32, #tpu.memory_space<vmem>>, vector<16xf32>,
        %parallel_loop3A_79 = vector.shape_cast %parallel_loop3A_78 : vector<16xf32> to vector<16xf32>
        %parallel_loop3A_80 = arith.index_cast %parallel_loop3A_76 : i32 to index
        %parallel_loop3A_81 = tpu.vector_load %arg8[%parallel_loop3A_80] {strides = array<i32>} : memref<16384xf32, #tpu.memory_space<vmem>>, vector<16xf32>,
        %parallel_loop3A_82 = vector.shape_cast %parallel_loop3A_81 : vector<16xf32> to vector<16xf32>
        %parallel_loop3A_83 = arith.constant 0.000000e+00 : f32
        %parallel_loop3A_84 = vector.broadcast %parallel_loop3A_83 : f32 to vector<16xf32>
        %parallel_loop3A_85 = arith.cmpf oeq, %parallel_loop3A_79, %parallel_loop3A_84 : vector<16xf32>
        %parallel_loop3A_86 = arith.divf %parallel_loop3A_82, %parallel_loop3A_79 : vector<16xf32>
        %parallel_loop3A_87 = arith.constant 0.000000e+00 : f32
        %parallel_loop3A_88 = vector.broadcast %parallel_loop3A_87 : f32 to vector<16xf32>
        %parallel_loop3A_89 = arith.select %parallel_loop3A_85, %parallel_loop3A_88, %parallel_loop3A_86 : vector<16xi1>, vector<16xf32>
        %parallel_loop3A_90 = arith.index_cast %parallel_loop3A_76 : i32 to index
        %parallel_loop3A_91 = tpu.vector_load %arg10[%parallel_loop3A_90] {strides = array<i32>} : memref<16384xf32, #tpu.memory_space<vmem>>, vector<16xf32>,
        %parallel_loop3A_92 = vector.shape_cast %parallel_loop3A_91 : vector<16xf32> to vector<16xf32>
        %parallel_loop3A_93 = vector.shape_cast %parallel_loop3A_89 : vector<16xf32> to vector<16xf32>
        tpu.vector_store %arg10[%parallel_loop3A_90], %parallel_loop3A_93 {strides = array<i32>} : memref<16384xf32, #tpu.memory_space<vmem>>, vector<16xf32>,
      } {sc.loop_unroll_factor = 8 : i64, sc.parallel_access}
      %add3A_69 = arith.constant 1 : i32
      %add3A_70 = arith.addi %mul3A_22, %add3A_69 : i32
      %mul3A_71 = arith.constant 16384 : i32
      %mul3A_72 = arith.muli %add3A_70, %mul3A_71 : i32
      %add3A_73 = arith.addi %mul3A_2, %mul3A_72 : i32
      %dma_start3A_74 = tpu.memref_slice %arg4[%add3A_73] : memref<16777216xf32, #tpu.memory_space<hbm>> -> memref<16384xf32, #tpu.memory_space<hbm>>
      %dma_start3A_75 = tpu.memref_slice %arg4[%add3A_73] : memref<16777216xf32, #tpu.memory_space<hbm>> -> memref<16384xf32, #tpu.memory_space<hbm>>
      tpu.enqueue_dma source(%arg10 : memref<16384xf32, #tpu.memory_space<vmem>>) target(%dma_start3A_75 : memref<16384xf32, #tpu.memory_space<hbm>>) target_semaphore(%arg14 : memref<!tpu.dma_semaphore, #tpu.memory_space<semaphore_mem>>)
    }
    %scan3A_12 = arith.constant 16 : i32
    %dma_wait3A = arith.constant 0 : i32
    %dma_wait3A_13 = tpu.memref_slice %arg4[%dma_wait3A] : memref<16777216xf32, #tpu.memory_space<hbm>> -> memref<16384xf32, #tpu.memory_space<hbm>>
    %dma_wait3A_14 = arith.constant 0 : i32
    %dma_wait3A_15 = tpu.memref_slice %arg4[%dma_wait3A_14] : memref<16777216xf32, #tpu.memory_space<hbm>> -> memref<16384xf32, #tpu.memory_space<hbm>>
    tpu.wait_dma2 semaphore(%arg13 : memref<!tpu.dma_semaphore, #tpu.memory_space<semaphore_mem>>) src(%arg7 : memref<16384xf32, #tpu.memory_space<vmem>>) dst(%dma_wait3A_15 : memref<16384xf32, #tpu.memory_space<hbm>>)
    %dma_wait3A_16 = arith.constant 0 : i32
    %dma_wait3A_17 = tpu.memref_slice %arg4[%dma_wait3A_16] : memref<16777216xf32, #tpu.memory_space<hbm>> -> memref<16384xf32, #tpu.memory_space<hbm>>
    %dma_wait3A_18 = arith.constant 0 : i32
    %dma_wait3A_19 = tpu.memref_slice %arg4[%dma_wait3A_18] : memref<16777216xf32, #tpu.memory_space<hbm>> -> memref<16384xf32, #tpu.memory_space<hbm>>
    tpu.wait_dma2 semaphore(%arg14 : memref<!tpu.dma_semaphore, #tpu.memory_space<semaphore_mem>>) src(%arg10 : memref<16384xf32, #tpu.memory_space<vmem>>) dst(%dma_wait3A_19 : memref<16384xf32, #tpu.memory_space<hbm>>)
    return
  }
}

</mosaic_0001>

<sc_bundles>
// kernel: kernel.3.cloned.1.call-start
scs
__scs_entry_jumppad:
0x0: {  	(pc) =	sbr.rel $0x88, $3  }
0x1: {  	(tag) =	ssettag $0x0;
	lr =	simm.s32 $0x1  }
0x2: {  	[smem:$0x3F9F] =	sst lr;
	_ =	strace $0xD0000000  }
0x3: {  	_ = 	snop  }
0x4: {  	_ = 	snop  }
0x5: {  	_ = 	snop  }
0x6: {  	_ = 	snop  }
0x7: {  	_ = 	snop  }
__scs_overlays_trampoline_lowered:
0x8: {  	[smem:$0x3FAE] =	sst s0  }
0x9: {  	[smem:$0x3FAF] =	sst s1  }
0xa: {  	[smem:$0x3FB0] =	sst s2  }
0xb: {  	[smem:$0x3FB1] =	sst s3  }
0xc: {  	[smem:$0x3FB2] =	sst s4  }
0xd: {  	[smem:$0x3FB3] =	sst s5  }
0xe: {  	[smem:$0x3FB4] =	sst s6  }
0xf: {  	[smem:$0x3FB5] =	sst s7  }
0x10: {  	[smem:$0x3FB6] =	sst s8  }
0x11: {  	[smem:$0x3FB7] =	sst s9;
	s0 =	simm.s32 @!p0 $0x0  }
0x12: {  	s1 =	sld [smem:$0x3F9D];
	s0 =	simm.s32 @p0 $0x1  }
0x13: {  	[smem:$0x3FB8] =	sst s0;
	s0 =	simm.s32 @!p1 $0x0  }
0x14: {  	s2 =	sld [smem:$0x3F9C];
	s0 =	simm.s32 @p1 $0x1  }
0x15: {  	[smem:$0x3FB9] =	sst s0;
	s0 =	simm.s32 @!p2 $0x0  }
0x16: {  	s3 =	sld [smem:$0x3FDB];
	s0 =	simm.s32 @p2 $0x1  }
0x17: {  	s4 =	simm.s32 $0x1BF5;
	[smem:$0x3FBB] =	sst s0  }
0x18: {  	s0 =	sld [smem:$0x3F9E];
	_ =	swait.ge [sflag:s4], $0x0  }
0x19: {  	s7 =	sld [smem:$0x3F9F]  }
0x1a: {  	s8 =	sadd.s32 $0xFFFFE003, lr  }
0x1b: {  	s9 =	sadd.s32 $0xFFFFFEF7, lr;
	s5 =	simm.s32 $0xFFFFFFFF;
	p2 =	slt.u32 s8, $0xFFFFF086  }
0x1c: {  	p1 =	slt.u32 s9, $0xF7A;
	s5 =	simm.s32 @!p2 $0x0  }
0x1d: {  	s5 =	simm.s32 @p1 $0x1;
	p0 =	seq.s32 s7, s2  }
0x1e: {  	s7 =	smul.u32 @!p0 $0xF7A, s2;
	p2 =	seq.s32 @!p0 s5, $0x0  }
0x1f: {  	s9 =	smul.u32 $0xF7A, s1;
	s8 =	simm.s32 @!p0 $0x1BF5;
	p2 =	por !p2, p0  }
0x20: {  	[sflag:s8] =	ssyncset.s32 @!p0 $0xFFFFF086;
	s6 =	sadd.s32 @!p0 s3, s7;
	s7 =	simm.s32 @!p0 $0x108  }
0x21: {  	s3 =	sadd.s32 s3, s9;
	s6 =	sadd.s32 @!p0 $0x88, s6;
	s7 =	simm.s32 @p2 $0x1082  }
0x22: {  	[simem:s7], [sflag:s8] =	dma.local @!p0 [hbm:s6], $0xF7A  }
0x23: {  	s9 =	sor.u32 $0xD0000000, s2;
	s6 =	simm.s32 $0x108;
	_ =	swait.ge @!p0 [sflag:s8], $0x0  }
0x24: {  	s3 =	sadd.s32 $0x88, s3;
	s6 =	simm.s32 @!p1 $0x1082;
	[sflag:s4] =	ssyncset.s32 $0xFFFFF086  }
0x25: {  	[simem:s6], [sflag:s4] =	dma.local [hbm:s3], $0xF7A  }
0x26: {  	[smem:$0x3F9F] =	sst s1;
	(tag) =	ssettag s2;
	_ =	strace s9  }
0x27: {  	s1 =	sld [smem:$0x3FAF]  }
0x28: {  	s2 =	sld [smem:$0x3FB0]  }
0x29: {  	s4 =	sld [smem:$0x3FB2]  }
0x2a: {  	p0 =	seq.s32 s5, $0x0;
	s5 =	sld [smem:$0x3FB3]  }
0x2b: {  	s6 =	sld [smem:$0x3FB4]  }
0x2c: {  	s7 =	sld [smem:$0x3FB5]  }
0x2d: {  	s3 =	simm.s32 $0x108;
	s8 =	sld [smem:$0x3FB6]  }
0x2e: {  	s3 =	simm.s32 @!p0 $0x1082;
	s9 =	sld [smem:$0x3FB7]  }
0x2f: {  	lr =	sadd.s32 s0, s3;
	s0 =	sld [smem:$0x3FAE]  }
0x30: {  	s3 =	sld [smem:$0x3FB1]  }
0x31: {  	[smem:$0x3FBA] =	sst s10  }
0x32: {  	s10 =	sld [smem:$0x3FB8];
	_ =	sdelay $0x3  }
0x33: {  	p0 =	seq.s32 s10, $0x1;
	s10 =	sld [smem:$0x3FBA];
	_ =	sdelay $0x3  }
0x34: {  	[smem:$0x3FBA] =	sst s10  }
0x35: {  	s10 =	sld [smem:$0x3FB9];
	_ =	sdelay $0x3  }
0x36: {  	p1 =	seq.s32 s10, $0x1;
	s10 =	sld [smem:$0x3FBA];
	_ =	sdelay $0x3  }
0x37: {  	[smem:$0x3FBA] =	sst s10  }
0x38: {  	s10 =	sld [smem:$0x3FBB]  }
0x39: {  	_ = 	snop;
	(pc) =	sbr.ind lr, $3  }
0x3a: {  	_ = 	snop  }
0x3b: {  	_ = 	snop  }
0x3c: {  	p2 =	seq.s32 s10, $0x1;
	s10 =	sld [smem:$0x3FBA]  }
0x3d: {  	_ =	shalt  }
0x3e: {  	_ =	shalt  }
0x3f: {  	_ =	shalt  }
0x40: {  	_ =	shalt  }
0x41: {  	_ =	shalt  }
0x42: {  	_ =	shalt  }
0x43: {  	_ =	shalt  }
0x44: {  	_ =	shalt  }
0x45: {  	_ =	shalt  }
0x46: {  	_ =	shalt  }
0x47: {  	_ =	shalt  }
0x48: {  	_ =	shalt  }
0x49: {  	_ =	shalt  }
0x4a: {  	_ =	shalt  }
0x4b: {  	_ =	shalt  }
0x4c: {  	_ =	shalt  }
0x4d: {  	_ =	shalt  }
0x4e: {  	_ =	shalt  }
0x4f: {  	_ =	shalt  }
0x50: {  	_ =	shalt  }
0x51: {  	_ =	shalt  }
0x52: {  	_ =	shalt  }
0x53: {  	_ =	shalt  }
0x54: {  	_ =	shalt  }
0x55: {  	_ =	shalt  }
0x56: {  	_ =	shalt  }
0x57: {  	_ =	shalt  }
0x58: {  	_ =	shalt  }
0x59: {  	_ =	shalt  }
0x5a: {  	_ =	shalt  }
0x5b: {  	_ =	shalt  }
0x5c: {  	_ =	shalt  }
0x5d: {  	_ =	shalt  }
0x5e: {  	_ =	shalt  }
0x5f: {  	_ =	shalt  }
0x60: {  	_ =	shalt  }
0x61: {  	_ =	shalt  }
0x62: {  	_ =	shalt  }
0x63: {  	_ =	shalt  }
0x64: {  	_ =	shalt  }
0x65: {  	_ =	shalt  }
0x66: {  	_ =	shalt  }
0x67: {  	_ =	shalt  }
0x68: {  	_ =	shalt  }
0x69: {  	_ =	shalt  }
0x6a: {  	_ =	shalt  }
0x6b: {  	_ =	shalt  }
0x6c: {  	_ =	shalt  }
0x6d: {  	_ =	shalt  }
0x6e: {  	_ =	shalt  }
0x6f: {  	_ =	shalt  }
0x70: {  	_ =	shalt  }
0x71: {  	_ =	shalt  }
0x72: {  	_ =	shalt  }
0x73: {  	_ =	shalt  }
0x74: {  	_ =	shalt  }
0x75: {  	_ =	shalt  }
0x76: {  	_ =	shalt  }
0x77: {  	_ =	shalt  }
0x78: {  	_ =	shalt  }
0x79: {  	_ =	shalt  }
0x7a: {  	_ =	shalt  }
0x7b: {  	_ =	shalt  }
0x7c: {  	_ =	shalt  }
0x7d: {  	_ =	shalt  }
0x7e: {  	_ =	shalt  }
0x7f: {  	_ =	shalt  }
0x80: {  	_ =	shalt  }
0x81: {  	_ =	shalt  }
0x82: {  	_ =	shalt  }
0x83: {  	_ =	shalt  }
0x84: {  	_ =	shalt  }
0x85: {  	_ =	shalt  }
0x86: {  	_ =	shalt  }
0x87: {  	_ =	shalt  }
.Lfunc_end0:
.L_simem_size_0:
called_computation_lowered:
.L_overlay_start_0:
0x88: {  	s2 =	sld [smem:$0x3FD9]  }
0x89: {  	s3 =	sld [smem:$0x3FFE];
	_ =	sdelay $0x1  }
0x8a: {  	s1 =	srdreg.scid  }
0x8b: {  	s0 =	sand.u32 $0x1, s1  }
0x8c: {  	s18 =	sshll.u32 s0, $0xA;
	s2 =	sadd.s32 s3, s2  }
0x8d: {  	s2 =	sadd.s32 s2, s18  }
0x8e: {  	[smem:$0x3FC6] =	sst s2  }
0x8f: {  	_ = 	snop  }
0x90: {  	s2 =	sld [smem:$0x3FC9]  }
0x91: {  	s19 =	sld [smem:$0x3FC8]  }
0x92: {  	s4 =	sld [smem:$0x3FD0];
	(tm) =	ssettm $0x1  }
0x93: {  	s5 =	sld [smem:$0x3FFB];
	_ =	sdelay $0x3  }
0x94: {  	_ =	strace s5  }
0x95: {  	s5 =	sld [smem:$0x3FFC];
	_ =	sdelay $0x3  }
0x96: {  	_ =	strace s5  }
0x97: {  	s5 =	sld [smem:$0x3FFD];
	_ =	sdelay $0x3  }
0x98: {  	_ =	strace s5  }
0x99: {  	_ =	strace $0x8FFFFFFF  }
0x9a: {  	s20 =	sld [smem:$0x3FDB];
	_ =	sdelay $0x1  }
0x9b: {  	s6 =	simm.s32 $_scs_section_size  }
0x9c: {  	s7 =	simm.s32 $_size__tile_overlayer_lowered;
	s8 =	simm.s32 $_tile_overlayer_lowered  }
0x9d: {  	s23 =	simm.s32 $0x1BFF;
	s22 =	sshll.u32 s8, $0x1;
	s5 =	sadd.s32 s6, s20  }
0x9e: {  	s9 =	simm.s32 $0x0;
	s21 =	sshll.u32 s7, $0x1;
	s7 =	sadd.s32 s22, s5  }
0x9f: {  	[timem:s9], [sflag:s23] =	dma.local [hbm:s7], s21  }
0xa0: {  	_ =	swait.ge [sflag:s23], s21  }
0xa1: {  	s6 =	ssub.s32 $0x0, s21;
	[sflag:s23] =	ssyncset.done $0x0  }
0xa2: {  	[sflag:s23] =	ssyncadd.s32 s6;
	_ =	sdelay $0x1  }
0xa3: {  	s24 =	simm.s32 $0x1B8B  }
0xa4: {  	_ =	swait.ge [sflag:s24], $0x1  }
0xa5: {  	[sflag:s24] =	ssyncset.done $0x0  }
0xa6: {  	s25 =	simm.s32 $0x1B8E;
	[sflag:s24] =	ssyncadd.s32 $0xFFFFFFFF  }
0xa7: {  	s26 =	simm.s32 $execute0_lowered;
	[smem:$0x3FD2] =	sst s25  }
0xa8: {  	s6 =	sshll.u32 s26, $0x1;
	_ =	strace $0x80000046;
	[dreg:$0x1] =	wrdreg $0xFFFFFFFF  }
0xa9: {  	s28 =	simm.s32 $_size_execute0_lowered;
	s5 =	sadd.s32 s5, s6;
	[dreg:$0x0] =	wrdreg $0x0  }
0xaa: {  	s6 =	sshll.u32 s28, $0x1;
	[dreg:$0x2] =	wrdreg s5  }
0xab: {  	[dreg:$0x3] =	wrdreg s6  }
0xac: {  	[dreg:$0x4] =	wrdreg $0xC0  }
0xad: {  	_ =	task [dreg:s9], $0x5FFFF  }
0xae: {  	[dreg:$0x1] =	wrdreg $0xFFFFFFFF  }
0xaf: {  	[dreg:$0x0] =	wrdreg $0x60  }
0xb0: {  	[dreg:$0x2] =	wrdreg s2  }
0xb1: {  	[dreg:$0x3] =	wrdreg s19  }
0xb2: {  	[dreg:$0x4] =	wrdreg s4  }
0xb3: {  	[dreg:$0x5] =	wrdreg $0x9  }
0xb4: {  	_ =	task.clear_ibuf [dreg:s9], $0x6FFFF;
	_ =	strace $0x90000046  }
0xb5: {  	s29 =	simm.s32 $0x9;
	_ =	strace $0x80000048  }
0xb6: {  	_ =	swait.ge [sflag:s29], $0x1  }
0xb7: {  	[sflag:s29] =	ssyncadd.s32 $0xFFFFFFFF  }
0xb8: {  	_ =	strace $0x90000048  }
0xb9: {  	_ =	sfence  }
0xba: {  	s30 =	sld [smem:$0x0];
	_ =	sdelay $0x2  }
0xbb: {  	s31 =	sshll.u32 s1, $0xD;
	s1 =	sshrl.u32 s1, $0x2  }
0xbc: {  	s3 =	sand.u32 $0x4000, s31;
	s1 =	sadd.s32 s1, s30  }
0xbd: {  	s0 =	sor.u32 s3, s0;
	s1 =	sshll.u32 s1, $0x11  }
0xbe: {  	s0 =	sor.u32 s1, s0  }
0xbf: {  	s0 =	sadd.s32 $0x8F2B, s0  }
0xc0: {  	[sflag:s0] =	ssyncadd.remote.s32 $0x1  }
0xc1: {  	_ =	sfence.sel $0xFFFF  }
0xc2: {  	[dreg:$0x0] =	wrdreg $0xFFFFFFFF;
	(pc) =	sbr.abs _section_cstart, $3  }
0xc3: {  	[dreg:$0x1] =	wrdreg $0xFFFFFFFF  }
0xc4: {  	_ =	task.clear_ibuf [dreg:s9], $0x2FFFF;
	_ =	strace $0x9FFFFFFF  }
0xc5: {  	(tm) =	ssettm $0x7FFFFFFF  }
tec
execute0_lowered:
.L_overlay_start_1:
0x0: {  	(tag) =	ssettag $0x1  }
0x1: {  	s1 =	rddreg [dreg:$0x0]  }
0x2: {  	s3 =	rddreg [dreg:$0x1]  }
0x3: {  	s4 =	rddreg [dreg:$0x2];
	s5 =	srdreg.scid  }
0x4: {  	s0 =	rddreg [dreg:$0x3];
	s2 =	stileid.u32;
	s11 =	simm.s32 $0x4000  }
0x5: {  	s12 =	simm.s32 $0xC000;
	s13 =	simm.s32 $0x10000;
	s14 =	simm.s32 $0x1  }
0x6: {  	s15 =	simm.s32 $0x8000;
	s16 =	simm.s32 $0x2;
	s17 =	simm.s32 $0x14000  }
0x7: {  	s18 =	simm.s32 $0x3;
	s19 =	simm.s32 $0x4;
	s20 =	simm.s32 $0x0  }
0x8: {  	s6 =	sand.u32 $0x1, s5;
	s5 =	simm.s32 $0x0;
	s7 =	sshll.u32 s2, $0x14  }
0x9: {  	s8 =	sshll.u32 s6, $0x13;
	[smem:$0x7FF] =	sst s5;
	s9 =	ssub.s32 $0x2, s6  }
0xa: {  	s6 =	sor.u32 s8, s7;
	_ =	strace $0x80000047;
	s31 =	sshrl.u32 s9, $0x1  }
0xb: {  	s8 =	sshrl.u32 s6, $0x3;
	s10 =	ssub.s32 s9, s31;
	s9 =	sor.u32 $0x8000, s6  }
0xc: {  	s7 =	sadd.s32 s1, s8;
	s8 =	sadd.s32 s3, s8;
	s10 =	smax.u32 s10, $0x1  }
.LBB2_1:
0xd: {  	[tilespmem:s5], [sflag:$0x1] =	stream.linear.gather [hbm4b:s7+s5], $0x4000, $0x38;
	[tilespmem:$0x18000] =	vst v63  }
0xe: {  	s21 =	simm.s32 $0x0  }
0xf: {  	[tilespmem:s11], [sflag:$0x1] =	stream.linear.gather [hbm4b:s8+s5], $0x4000, $0x38;
	[tilespmem:$0x18000] =	vst v63  }
.LBB2_2:
0x10: {  	s23 =	sshll.u32 s21, $0xF  }
0x11: {  	s22 =	sor.u32 s23, s6  }
0x12: {  	s24 =	sshrl.u32 s22, $0x3  }
0x13: {  	s22 =	sor.u32 $0x800, s24  }
0x14: {  	s25 =	sadd.s32 s1, s22  }
0x15: {  	[tilespmem:s12], [sflag:$0x2] =	stream.linear.gather [hbm4b:s25+s5], $0x4000, $0x38;
	[tilespmem:$0x18000] =	vst v63  }
0x16: {  	s26 =	sadd.s32 s3, s22  }
0x17: {  	[tilespmem:s13], [sflag:$0x2] =	stream.linear.gather [hbm4b:s26+s5], $0x4000, $0x38;
	[tilespmem:$0x18000] =	vst v63  }
0x18: {  	_ =	swait.ge [sflag:s14], $0x4000  }
0x19: {  	[sflag:s14] =	ssyncset.done $0x0  }
0x1a: {  	[sflag:s14] =	ssyncadd.s32 $0xFFFFC000  }
0x1b: {  	_ =	swait.ge [sflag:s14], $0x4000  }
0x1c: {  	p0 =	seq.s32 s21, $0x0;
	[sflag:s14] =	ssyncset.done $0x0  }
0x1d: {  	s25 =	simm.s32 @!p0 $0x3;
	[sflag:s14] =	ssyncadd.s32 $0xFFFFC000  }
0x1e: {  	_ =	swait.ge @!p0 [sflag:s25], $0x4000  }
0x1f: {  	[sflag:s25] =	ssyncset.done @!p0 $0x0  }
0x20: {  	s30 =	simm.s32 $0x4040;
	[sflag:s25] =	ssyncadd.s32 @!p0 $0xFFFFC000  }
0x21: {  	v1 =	vld [tilespmem:s30+$0x30]  }
0x22: {  	v2 =	vld [tilespmem:s30+$0xFFFFFFD0]  }
0x23: {  	v3 =	vld [tilespmem:s30+$0xFFFFFFE0]  }
0x24: {  	v4 =	vld [tilespmem:s30+$0xFFFFFFF0]  }
0x25: {  	v5 =	vld [tilespmem:s30+$0x0]  }
0x26: {  	v6 =	vld [tilespmem:s30+$0x10];
	(erf) = vrcp.f32 v1  }
0x27: {  	v7 =	vld [tilespmem:s30+$0x20];
	(erf) = vrcp.f32 v2  }
0x28: {  	s26 =	simm.s32 $0x40;
	v8 =	vld [tilespmem:s30+$0xFFFFFFC0];
	(erf) = vrcp.f32 v3  }
0x29: {  	v9 =	vld [tilespmem:s26+$0x30];
	(erf) = vrcp.f32 v4  }
0x2a: {  	v10 =	vld [tilespmem:s26+$0xFFFFFFC0];
	(erf) = vrcp.f32 v5  }
0x2b: {  	v11 =	vld [tilespmem:s26+$0xFFFFFFD0];
	(erf) = vrcp.f32 v6  }
0x2c: {  	v12 =	vld [tilespmem:s26+$0xFFFFFFE0];
	(erf) = vrcp.f32 v7  }
0x2d: {  	s31 =	simm.s32 $0x40C0;
	v13 =	vld [tilespmem:s26+$0xFFFFFFF0]  }
0x2e: {  	v0 =	vld [tilespmem:s31+$0x30]  }
0x2f: {  	v14 =	vld [tilespmem:s26+$0x0];
	(erf) = vrcp.f32 v8;
	v15 =	vpop (erf)  }
0x30: {  	v17 =	vld [tilespmem:s31+$0xFFFFFFD0];
	v16 =	vpop (erf)  }
0x31: {  	vm0 =	veq.f32 v2, $0.0e+00;
	vm4 =	veq.f32 v3, $0.0e+00;
	vm3 =	veq.f32 v4, $0.0e+00;
	v3 =	vld [tilespmem:s31+$0xFFFFFFE0];
	v2 =	vpop (erf)  }
0x32: {  	vm2 =	veq.f32 v5, $0.0e+00;
	vm5 =	veq.f32 v6, $0.0e+00;
	vm7 =	veq.f32 v7, $0.0e+00;
	v5 =	vld [tilespmem:s31+$0xFFFFFFF0];
	v4 =	vpop (erf)  }
0x33: {  	vm6 =	veq.f32 v8, $0.0e+00;
	(erf) = vrcp.f32 v0;
	v6 =	vmul.f32 v15, v9;
	v9 =	vld [tilespmem:s31+$0x0];
	v8 =	vpop (erf)  }
0x34: {  	vm1 =	veq.f32 v1, $0.0e+00;
	v7 =	vmul.f32 v16, v11;
	v11 =	vld [tilespmem:s31+$0x10];
	v1 =	vmul.f32 v2, v12;
	v2 =	vpop (erf)  }
0x35: {  	v58 =	vld [tilespmem:s31+$0x20];
	vm5 =	vmmov vm5;
	v6 =	vsel vm1, $0x0, v6;
	v57 =	vpop (erf);
	(erf) = vrcp.f32 v17  }
0x36: {  	v60 =	vld [tilespmem:s31+$0xFFFFFFC0];
	vm1 =	veq.f32 v17, $0.0e+00;
	v4 =	vmul.f32 v4, v13;
	(erf) = vrcp.f32 v3  }
0x37: {  	v61 =	vld [tilespmem:s26+$0x10];
	v7 =	vsel vm0, $0x0, v7;
	vm0 =	vmmov vm7;
	(erf) = vrcp.f32 v5  }
0x38: {  	s25 =	simm.s32 $0x8040;
	v63 =	vld [tilespmem:s26+$0x20];
	s26 =	simm.s32 $0xC0;
	v8 =	vmul.f32 v8, v14;
	v62 =	vsel vm4, $0x0, v1;
	v59 =	vpop (erf);
	(erf) = vrcp.f32 v9  }
0x39: {  	[tilespmem:s25+$0x30] =	vst v6;
	v6 =	vld [tilespmem:s26+$0x30];
	vm4 =	veq.f32 v3, $0.0e+00;
	v10 =	vmul.f32 v59, v10;
	(erf) = vrcp.f32 v11  }
0x3a: {  	[tilespmem:s25+$0xFFFFFFD0] =	vst v7;
	v1 =	vld [tilespmem:s26+$0xFFFFFFC0];
	v3 =	vsel vm3, $0x0, v4;
	vm3 =	veq.f32 v5, $0.0e+00;
	(erf) = vrcp.f32 v58  }
0x3b: {  	[tilespmem:s25+$0xFFFFFFE0] =	vst v62;
	v7 =	vsel vm2, $0x0, v8;
	v5 =	vld [tilespmem:s26+$0xFFFFFFD0];
	v8 =	vsel vm6, $0x0, v10;
	(erf) = vrcp.f32 v60  }
0x3c: {  	vm7 =	veq.f32 v58, $0.0e+00;
	vm2 =	veq.f32 v9, $0.0e+00;
	v4 =	vld [tilespmem:s26+$0xFFFFFFE0];
	[tilespmem:s25+$0xFFFFFFF0] =	vst v3;
	v9 =	vmul.f32 v2, v61  }
0x3d: {  	vm8 =	veq.f32 v11, $0.0e+00;
	[tilespmem:s25+$0x0] =	vst v7;
	v3 =	vld [tilespmem:s26+$0xFFFFFFF0];
	v7 =	vmul.f32 v57, v63;
	vm6 =	veq.f32 v60, $0.0e+00;
	v10 =	vpop (erf)  }
0x3e: {  	s28 =	simm.s32 $0x80;
	s29 =	simm.s32 $0x4140;
	v2 =	vld [tilespmem:s26+$0x0];
	[tilespmem:s25+$0xFFFFFFC0] =	vst v8;
	v9 =	vsel vm5, $0x0, v9;
	vm5 =	vmmov vm8;
	v6 =	vmul.f32 v10, v6;
	v8 =	vpop (erf)  }
.LBB2_3:
0x3f: {  	s28 =	sadd.s32 $0x80, s28;
	vm8 =	veq.f32 v0, $0.0e+00;
	v0 =	vld [tilespmem:s29+$0x30];
	v10 =	vpop (erf);
	[tilespmem:s25+$0x10] =	vst v9;
	v7 =	vsel vm0, $0x0, v7;
	vm0 =	vmmov vm7  }
0x40: {  	v9 =	vld [tilespmem:s29+$0xFFFFFFD0];
	p1 =	slt.u32 s28, $0x3F80;
	v5 =	vmul.f32 v8, v5;
	v11 =	vsel vm8, $0x0, v6;
	v8 =	vpop (erf);
	[tilespmem:s25+$0x20] =	vst v7;
	s25 =	sadd.s32 $0x80, s25  }
0x41: {  	v7 =	vld [tilespmem:s29+$0xFFFFFFE0];
	v13 =	vmul.f32 v10, v4;
	[tilespmem:s25+$0x30] =	vst v11;
	v6 =	vpop (erf)  }
0x42: {  	v10 =	vld [tilespmem:s29+$0xFFFFFFF0];
	v5 =	vsel vm1, $0x0, v5;
	v3 =	vmul.f32 v8, v3;
	v8 =	vpop (erf)  }
0x43: {  	v11 =	vld [tilespmem:s29+$0x0];
	[tilespmem:s25+$0xFFFFFFD0] =	vst v5;
	v12 =	vsel vm4, $0x0, v13;
	v2 =	vmul.f32 v6, v2;
	v6 =	vpop (erf)  }
0x44: {  	v5 =	vld [tilespmem:s29+$0x10];
	(erf) = vrcp.f32 v0;
	[tilespmem:s25+$0xFFFFFFE0] =	vst v12;
	v3 =	vsel vm3, $0x0, v3;
	v4 =	vpop (erf)  }
0x45: {  	vm1 =	veq.f32 v9, $0.0e+00;
	v12 =	vld [tilespmem:s29+$0x20];
	(erf) = vrcp.f32 v9;
	v1 =	vmul.f32 v4, v1;
	[tilespmem:s25+$0xFFFFFFF0] =	vst v3  }
0x46: {  	v2 =	vsel vm2, $0x0, v2;
	v3 =	vld [tilespmem:s29+$0xFFFFFFC0];
	vm4 =	veq.f32 v7, $0.0e+00;
	(erf) = vrcp.f32 v7  }
0x47: {  	vm3 =	veq.f32 v10, $0.0e+00;
	(erf) = vrcp.f32 v10;
	v1 =	vsel vm6, $0x0, v1;
	[tilespmem:s25+$0x0] =	vst v2;
	v2 =	vld [tilespmem:s26+$0x10]  }
0x48: {  	vm2 =	veq.f32 v11, $0.0e+00;
	(erf) = vrcp.f32 v11;
	[tilespmem:s25+$0xFFFFFFC0] =	vst v1;
	v7 =	vld [tilespmem:s26+$0x20];
	s26 =	sadd.s32 $0x80, s26  }
0x49: {  	vm8 =	veq.f32 v5, $0.0e+00;
	v9 =	vld [tilespmem:s26+$0x30];
	(erf) = vrcp.f32 v5  }
.Ltmp0:
0x4a: {  	v1 =	vld [tilespmem:s26+$0xFFFFFFC0];
	vm7 =	veq.f32 v12, $0.0e+00;
	(erf) = vrcp.f32 v12;
	(pc) =	sbr.rel @p1 .LBB2_3-.Ltmp0, $4  }
0x4b: {  	vm6 =	veq.f32 v3, $0.0e+00;
	v5 =	vld [tilespmem:s26+$0xFFFFFFD0];
	(erf) = vrcp.f32 v3  }
0x4c: {  	v4 =	vld [tilespmem:s26+$0xFFFFFFE0];
	v10 =	vmul.f32 v8, v2  }
0x4d: {  	v3 =	vld [tilespmem:s26+$0xFFFFFFF0];
	v8 =	vpop (erf);
	v7 =	vmul.f32 v6, v7  }
0x4e: {  	s29 =	sadd.s32 $0x80, s29;
	v2 =	vld [tilespmem:s26+$0x0];
	v6 =	vmul.f32 v8, v9;
	v8 =	vpop (erf);
	v9 =	vsel vm5, $0x0, v10;
	vm5 =	vmmov vm8  }
0x4f: {  	_ = 	snop  }
0x50: {  	v10 =	vpop (erf);
	vm8 =	veq.f32 v0, $0.0e+00;
	v5 =	vmul.f32 v8, v5  }
0x51: {  	[tilespmem:s25+$0x10] =	vst v9;
	v0 =	vsel vm0, $0x0, v7;
	v11 =	vpop (erf);
	v6 =	vsel vm8, $0x0, v6  }
0x52: {  	s28 =	sadd.s32 $0x80, s25;
	v9 =	vld [tilespmem:s26+$0x20];
	[tilespmem:s25+$0x20] =	vst v0;
	v7 =	vpop (erf);
	v0 =	vmul.f32 v10, v4;
	v5 =	vsel vm1, $0x0, v5  }
0x53: {  	v8 =	vld [tilespmem:s26+$0x10];
	[tilespmem:s28+$0x30] =	vst v6;
	v4 =	vpop (erf);
	v3 =	vmul.f32 v11, v3  }
0x54: {  	v6 =	vpop (erf);
	[tilespmem:s28+$0xFFFFFFD0] =	vst v5;
	v0 =	vsel vm4, $0x0, v0;
	v2 =	vmul.f32 v7, v2  }
0x55: {  	[tilespmem:s28+$0xFFFFFFE0] =	vst v0;
	v0 =	vsel vm3, $0x0, v3;
	v5 =	vpop (erf)  }
0x56: {  	[tilespmem:s28+$0xFFFFFFF0] =	vst v0;
	v0 =	vsel vm2, $0x0, v2;
	v1 =	vmul.f32 v5, v1  }
0x57: {  	[tilespmem:s28+$0x0] =	vst v0;
	v0 =	vmul.f32 v6, v9  }
0x58: {  	vm0 =	vmmov vm7;
	v2 =	vmul.f32 v4, v8;
	v1 =	vsel vm6, $0x0, v1  }
0x59: {  	p1 =	seq.s32 s21, $0xF;
	v0 =	vsel vm0, $0x0, v0;
	[tilespmem:s28+$0xFFFFFFC0] =	vst v1  }
0x5a: {  	s23 =	sadd.s32 @!p1 s23, s9;
	v1 =	vsel vm5, $0x0, v2;
	[tilespmem:s28+$0x20] =	vst v0  }
0x5b: {  	s24 =	sadd.s32 s4, s24;
	s23 =	sshrl.u32 @!p1 s23, $0x3;
	[tilespmem:s28+$0x10] =	vst v1  }
0x5c: {  	[hbm4b:s24+s5] =	stream.linear.scatter [tilespmem:s15], [sflag:$0x3], $0x4000, $0x38;
	[tilespmem:$0x18000] =	vst v63  }
0x5d: {  	s25 =	simm.s32 @!p1 $0x0;
	s24 =	sadd.s32 @!p1 s1, s23  }
0x5e: {  	[tilespmem:s25], [sflag:$0x1] =	stream.linear.gather @!p1 [hbm4b:s24+s25], $0x4000, $0x38;
	[tilespmem:$0x18000] =	vst v63  }
0x5f: {  	s23 =	sadd.s32 @!p1 s3, s23;
	s24 =	simm.s32 @!p1 $0x4000  }
0x60: {  	[tilespmem:s24], [sflag:$0x1] =	stream.linear.gather @!p1 [hbm4b:s23+s25], $0x4000, $0x38;
	[tilespmem:$0x18000] =	vst v63  }
0x61: {  	_ =	swait.ge [sflag:s16], $0x4000  }
0x62: {  	[sflag:s16] =	ssyncset.done $0x0  }
0x63: {  	[sflag:s16] =	ssyncadd.s32 $0xFFFFC000  }
0x64: {  	_ =	swait.ge [sflag:s16], $0x4000  }
0x65: {  	[sflag:s16] =	ssyncset.done $0x0  }
0x66: {  	s23 =	simm.s32 @!p0 $0x4;
	[sflag:s16] =	ssyncadd.s32 $0xFFFFC000  }
0x67: {  	_ =	swait.ge @!p0 [sflag:s23], $0x4000  }
0x68: {  	[sflag:s23] =	ssyncset.done @!p0 $0x0  }
0x69: {  	s29 =	simm.s32 $0x10040;
	[sflag:s23] =	ssyncadd.s32 @!p0 $0xFFFFC000  }
0x6a: {  	v1 =	vld [tilespmem:s29+$0x30]  }
0x6b: {  	v2 =	vld [tilespmem:s29+$0xFFFFFFD0]  }
0x6c: {  	v3 =	vld [tilespmem:s29+$0xFFFFFFE0]  }
0x6d: {  	v4 =	vld [tilespmem:s29+$0xFFFFFFF0]  }
0x6e: {  	v5 =	vld [tilespmem:s29+$0x0]  }
0x6f: {  	v6 =	vld [tilespmem:s29+$0x10];
	(erf) = vrcp.f32 v1  }
0x70: {  	v7 =	vld [tilespmem:s29+$0x20];
	(erf) = vrcp.f32 v2  }
0x71: {  	s30 =	simm.s32 $0xC040;
	v8 =	vld [tilespmem:s29+$0xFFFFFFC0];
	(erf) = vrcp.f32 v3  }
0x72: {  	v9 =	vld [tilespmem:s30+$0x30];
	(erf) = vrcp.f32 v4  }
0x73: {  	v10 =	vld [tilespmem:s30+$0xFFFFFFC0];
	(erf) = vrcp.f32 v5  }
0x74: {  	v11 =	vld [tilespmem:s30+$0xFFFFFFD0];
	(erf) = vrcp.f32 v6  }
0x75: {  	v12 =	vld [tilespmem:s30+$0xFFFFFFE0];
	(erf) = vrcp.f32 v7  }
0x76: {  	v13 =	vld [tilespmem:s30+$0xFFFFFFF0]  }
0x77: {  	s31 =	simm.s32 $0x100C0;
	v14 =	vld [tilespmem:s30+$0x0]  }
0x78: {  	v0 =	vld [tilespmem:s31+$0x30];
	(erf) = vrcp.f32 v8;
	v15 =	vpop (erf)  }
0x79: {  	v17 =	vld [tilespmem:s31+$0xFFFFFFD0];
	v16 =	vpop (erf)  }
0x7a: {  	vm0 =	veq.f32 v2, $0.0e+00;
	vm4 =	veq.f32 v3, $0.0e+00;
	vm3 =	veq.f32 v4, $0.0e+00;
	v3 =	vld [tilespmem:s31+$0xFFFFFFE0];
	v2 =	vpop (erf)  }
0x7b: {  	vm2 =	veq.f32 v5, $0.0e+00;
	vm5 =	veq.f32 v6, $0.0e+00;
	vm7 =	veq.f32 v7, $0.0e+00;
	v5 =	vld [tilespmem:s31+$0xFFFFFFF0];
	v4 =	vpop (erf)  }
0x7c: {  	vm6 =	veq.f32 v8, $0.0e+00;
	v6 =	vmul.f32 v15, v9;
	v9 =	vld [tilespmem:s31+$0x0];
	v7 =	vmul.f32 v16, v11;
	v8 =	vpop (erf)  }
0x7d: {  	vm1 =	veq.f32 v1, $0.0e+00;
	v11 =	vld [tilespmem:s31+$0x10];
	v1 =	vmul.f32 v2, v12;
	v2 =	vpop (erf);
	(erf) = vrcp.f32 v0  }
0x7e: {  	v58 =	vld [tilespmem:s31+$0x20];
	vm5 =	vmmov vm5;
	v6 =	vsel vm1, $0x0, v6;
	v57 =	vpop (erf);
	(erf) = vrcp.f32 v17  }
0x7f: {  	v60 =	vld [tilespmem:s31+$0xFFFFFFC0];
	vm1 =	veq.f32 v17, $0.0e+00;
	v4 =	vmul.f32 v4, v13;
	(erf) = vrcp.f32 v3  }
0x80: {  	v61 =	vld [tilespmem:s30+$0x10];
	v7 =	vsel vm0, $0x0, v7;
	vm0 =	vmmov vm7;
	(erf) = vrcp.f32 v5  }
0x81: {  	s24 =	simm.s32 $0xC0C0;
	s23 =	simm.s32 $0x14040;
	v63 =	vld [tilespmem:s30+$0x20];
	v8 =	vmul.f32 v8, v14;
	v62 =	vsel vm4, $0x0, v1;
	v59 =	vpop (erf);
	(erf) = vrcp.f32 v9  }
0x82: {  	[tilespmem:s23+$0x30] =	vst v6;
	v6 =	vld [tilespmem:s24+$0x30];
	vm4 =	veq.f32 v3, $0.0e+00;
	v10 =	vmul.f32 v59, v10;
	(erf) = vrcp.f32 v11  }
0x83: {  	[tilespmem:s23+$0xFFFFFFD0] =	vst v7;
	v1 =	vld [tilespmem:s24+$0xFFFFFFC0];
	v3 =	vsel vm3, $0x0, v4;
	vm3 =	veq.f32 v5, $0.0e+00;
	(erf) = vrcp.f32 v58  }
0x84: {  	[tilespmem:s23+$0xFFFFFFE0] =	vst v62;
	v7 =	vsel vm2, $0x0, v8;
	v5 =	vld [tilespmem:s24+$0xFFFFFFD0];
	v8 =	vsel vm6, $0x0, v10;
	(erf) = vrcp.f32 v60  }
0x85: {  	vm7 =	veq.f32 v58, $0.0e+00;
	vm2 =	veq.f32 v9, $0.0e+00;
	v4 =	vld [tilespmem:s24+$0xFFFFFFE0];
	[tilespmem:s23+$0xFFFFFFF0] =	vst v3;
	v9 =	vmul.f32 v2, v61  }
0x86: {  	vm8 =	veq.f32 v11, $0.0e+00;
	[tilespmem:s23+$0x0] =	vst v7;
	v3 =	vld [tilespmem:s24+$0xFFFFFFF0];
	v7 =	vmul.f32 v57, v63;
	vm6 =	veq.f32 v60, $0.0e+00;
	v10 =	vpop (erf)  }
0x87: {  	s26 =	simm.s32 $0x10140;
	s25 =	simm.s32 $0x80;
	v2 =	vld [tilespmem:s24+$0x0];
	[tilespmem:s23+$0xFFFFFFC0] =	vst v8;
	v9 =	vsel vm5, $0x0, v9;
	vm5 =	vmmov vm8;
	v6 =	vmul.f32 v10, v6;
	v8 =	vpop (erf)  }
.LBB2_5:
0x88: {  	s25 =	sadd.s32 $0x80, s25;
	vm8 =	veq.f32 v0, $0.0e+00;
	v0 =	vld [tilespmem:s26+$0x30];
	v10 =	vpop (erf);
	[tilespmem:s23+$0x10] =	vst v9;
	v7 =	vsel vm0, $0x0, v7;
	vm0 =	vmmov vm7  }
0x89: {  	v9 =	vld [tilespmem:s26+$0xFFFFFFD0];
	p0 =	slt.u32 s25, $0x3F80;
	v5 =	vmul.f32 v8, v5;
	v11 =	vsel vm8, $0x0, v6;
	v8 =	vpop (erf);
	[tilespmem:s23+$0x20] =	vst v7;
	s23 =	sadd.s32 $0x80, s23  }
0x8a: {  	v7 =	vld [tilespmem:s26+$0xFFFFFFE0];
	v13 =	vmul.f32 v10, v4;
	[tilespmem:s23+$0x30] =	vst v11;
	v6 =	vpop (erf)  }
0x8b: {  	v10 =	vld [tilespmem:s26+$0xFFFFFFF0];
	v5 =	vsel vm1, $0x0, v5;
	v3 =	vmul.f32 v8, v3;
	v8 =	vpop (erf)  }
0x8c: {  	v11 =	vld [tilespmem:s26+$0x0];
	[tilespmem:s23+$0xFFFFFFD0] =	vst v5;
	v12 =	vsel vm4, $0x0, v13;
	v2 =	vmul.f32 v6, v2;
	v6 =	vpop (erf)  }
0x8d: {  	v5 =	vld [tilespmem:s26+$0x10];
	(erf) = vrcp.f32 v0;
	[tilespmem:s23+$0xFFFFFFE0] =	vst v12;
	v3 =	vsel vm3, $0x0, v3;
	v4 =	vpop (erf)  }
0x8e: {  	vm1 =	veq.f32 v9, $0.0e+00;
	v12 =	vld [tilespmem:s26+$0x20];
	(erf) = vrcp.f32 v9;
	v1 =	vmul.f32 v4, v1;
	[tilespmem:s23+$0xFFFFFFF0] =	vst v3  }
0x8f: {  	v2 =	vsel vm2, $0x0, v2;
	v3 =	vld [tilespmem:s26+$0xFFFFFFC0];
	vm4 =	veq.f32 v7, $0.0e+00;
	(erf) = vrcp.f32 v7  }
0x90: {  	vm3 =	veq.f32 v10, $0.0e+00;
	(erf) = vrcp.f32 v10;
	v1 =	vsel vm6, $0x0, v1;
	[tilespmem:s23+$0x0] =	vst v2;
	v2 =	vld [tilespmem:s24+$0x10]  }
0x91: {  	vm2 =	veq.f32 v11, $0.0e+00;
	(erf) = vrcp.f32 v11;
	[tilespmem:s23+$0xFFFFFFC0] =	vst v1;
	v7 =	vld [tilespmem:s24+$0x20];
	s24 =	sadd.s32 $0x80, s24  }
0x92: {  	vm8 =	veq.f32 v5, $0.0e+00;
	v9 =	vld [tilespmem:s24+$0x30];
	(erf) = vrcp.f32 v5  }
.Ltmp1:
0x93: {  	v1 =	vld [tilespmem:s24+$0xFFFFFFC0];
	vm7 =	veq.f32 v12, $0.0e+00;
	(erf) = vrcp.f32 v12;
	(pc) =	sbr.rel @p0 .LBB2_5-.Ltmp1, $4  }
0x94: {  	vm6 =	veq.f32 v3, $0.0e+00;
	v5 =	vld [tilespmem:s24+$0xFFFFFFD0];
	(erf) = vrcp.f32 v3  }
0x95: {  	v4 =	vld [tilespmem:s24+$0xFFFFFFE0];
	v10 =	vmul.f32 v8, v2  }
0x96: {  	v3 =	vld [tilespmem:s24+$0xFFFFFFF0];
	v8 =	vpop (erf);
	v7 =	vmul.f32 v6, v7  }
0x97: {  	s26 =	sadd.s32 $0x80, s26;
	v2 =	vld [tilespmem:s24+$0x0];
	v6 =	vmul.f32 v8, v9;
	v8 =	vpop (erf);
	v9 =	vsel vm5, $0x0, v10;
	vm5 =	vmmov vm8  }
0x98: {  	v53 =	vld [tilespmem:s24+$0x10]  }
0x99: {  	v10 =	vpop (erf);
	[tilespmem:s23+$0x10] =	vst v9;
	vm8 =	veq.f32 v0, $0.0e+00;
	v51 =	vsel vm0, $0x0, v7;
	v56 =	vld [tilespmem:s24+$0x20];
	v5 =	vmul.f32 v8, v5  }
0x9a: {  	s31 =	sadd.s32 $0x80, s23;
	v11 =	vpop (erf);
	v6 =	vsel vm8, $0x0, v6;
	[tilespmem:s23+$0x20] =	vst v51;
	v54 =	vmul.f32 v10, v4  }
0x9b: {  	v52 =	vpop (erf);
	[tilespmem:s31+$0x30] =	vst v6;
	v5 =	vsel vm1, $0x0, v5;
	v3 =	vmul.f32 v11, v3  }
0x9c: {  	v55 =	vpop (erf);
	[tilespmem:s31+$0xFFFFFFD0] =	vst v5;
	v0 =	vsel vm4, $0x0, v54;
	v2 =	vmul.f32 v52, v2  }
0x9d: {  	s21 =	sadd.s32 $0x1, s21;
	v57 =	vpop (erf);
	[tilespmem:s31+$0xFFFFFFE0] =	vst v0;
	v59 =	vsel vm3, $0x0, v3;
	v61 =	vmul.f32 v55, v53  }
0x9e: {  	p0 =	sne.s32 s21, $0x10;
	v58 =	vpop (erf);
	v62 =	vmul.f32 v57, v56;
	[tilespmem:s31+$0xFFFFFFF0] =	vst v59;
	v60 =	vsel vm2, $0x0, v2  }
.Ltmp2:
0x9f: {  	vm15 =	vmmov vm7;
	v1 =	vmul.f32 v58, v1;
	[tilespmem:s31+$0x0] =	vst v60;
	v63 =	vsel vm5, $0x0, v61;
	(pc) =	sbr.rel @p0 .LBB2_2-.Ltmp2, $4  }
0xa0: {  	v0 =	vsel vm15, $0x0, v62;
	[tilespmem:s31+$0x10] =	vst v63  }
0xa1: {  	v1 =	vsel vm6, $0x0, v1;
	[tilespmem:s31+$0x20] =	vst v0  }
0xa2: {  	s22 =	sadd.s32 s4, s22;
	[tilespmem:s31+$0xFFFFFFC0] =	vst v1  }
0xa3: {  	[hbm4b:s22+s5] =	stream.linear.scatter [tilespmem:s17], [sflag:$0x4], $0x4000, $0x38;
	[tilespmem:$0x18000] =	vst v63  }
0xa4: {  	s20 =	sadd.s32 $0x1, s20  }
0xa5: {  	_ =	swait.ge [sflag:s18], $0x4000;
	p0 =	sne.s32 s20, s10  }
.Ltmp3:
0xa6: {  	[sflag:s18] =	ssyncset.done $0x0;
	(pc) =	sbr.rel @p0 .LBB2_1-.Ltmp3, $4  }
0xa7: {  	[sflag:s18] =	ssyncadd.s32 $0xFFFFC000  }
0xa8: {  	_ =	swait.ge [sflag:s19], $0x4000  }
0xa9: {  	[sflag:s19] =	ssyncset.done $0x0  }
0xaa: {  	[sflag:s19] =	ssyncadd.s32 $0xFFFFC000  }
0xab: {  	_ =	sfence.sel $0x180000  }
0xac: {  	[bflag:$0x0] =	sbarrier.arrive $0xFFFF  }
0xad: {  	p0 =	sne.s32 s2, $0x0;
	_ =	strace $0x90000047  }
0xae: {  	s0 =	sadd.s32 @!p0 $0x100000, s0;
	[bflag:$0x2] =	sbarrier.arrive $0xFFFF  }
0xaf: {  	[sflag:s0] =	ssyncadd.tile.s32 @!p0 $0x1;
	_ =	shalt  }
.Lfunc_end2:
_tile_overlayer_lowered:
.L_overlay_start_2:
0xb0: {  	(tag) =	ssettag $0x2  }
0xb1: {  	s0 =	rddreg [dreg:$0x0];
	s2 =	stileid.u32  }
0xb2: {  	s1 =	rddreg [dreg:$0x1];
	p0 =	sne.s32 s2, $0x0  }
0xb3: {  	s3 =	rddreg [dreg:$0x2];
	[bflag:$0x3] =	sbarrier.arrive $0xFFFF;
	s2 =	simm.s32 @!p0 $0x1C05  }
0xb4: {  	[timem:s3], [sflag:s2] =	dma.local @!p0 [hbm:s0], s1  }
0xb5: {  	s0 =	simm.s32 @!p0 $0x5  }
0xb6: {  	_ =	swait.ge @!p0 [sflag:s0], s1  }
0xb7: {  	s1 =	ssub.s32 @!p0 $0x0, s1;
	[sflag:s0] =	ssyncset.done @!p0 $0x0  }
0xb8: {  	[sflag:s0] =	ssyncadd.s32 @!p0 s1  }
0xb9: {  	[bflag:$0x3] =	sbarrier.arrive $0xFFFF  }
0xba: {  	_ =	shalt  }

</sc_bundles>
